<compile_context>
chip_gen: v7x
topology: tpu7x:2x2x1
jax: 0.10.2.dev20260603
libtpu: 0.0.44.dev20260713+nightly
codegen_flags: <defaults>
</compile_context>

<pallas_src>
import functools

import jax
import jax.numpy as jnp
from jax import lax
from jax.experimental import pallas as pl


def _body(idx_ref, pc_ref, rm_ref, x_ref, o_ref, *, bb, p):
    pc = pc_ref[...]
    rm = rm_ref[...]
    qi = lax.broadcasted_iota(jnp.int32, (p, 1), 0)
    li = lax.broadcasted_iota(jnp.int32, (1, rm.shape[1]), 1)
    t = (li % p).astype(jnp.float32) / (p - 1)
    for b in range(bb):
        idxr = idx_ref[b]
        hi = idxr // p
        lo = idxr % p
        a_t = (qi == hi).astype(jnp.float32)
        b2 = (qi == lo).astype(jnp.float32)
        cnt = lax.dot_general(a_t, b2, (((1,), (1,)), ((), ())),
                              preferred_element_type=jnp.float32)
        x = x_ref[b]
        se = jnp.dot(x, pc, preferred_element_type=jnp.float32)
        stk = jnp.concatenate([se[:, 0:p], se[:, p:2 * p], cnt], axis=0)
        exp = jnp.dot(stk, rm, preferred_element_type=jnp.float32)
        s_exp = exp[0:p]
        e_exp = exp[p:2 * p]
        mline = exp[2 * p:3 * p]
        lerp = s_exp + (e_exp - s_exp) * t
        o_ref[b] = jnp.where(mline > 0.0, lerp, x)


def kernel(patches, masked_indices):
    B, N, P = patches.shape
    M = masked_indices.shape[1]
    G = N // P
    L = G * P
    idx3 = masked_indices.astype(jnp.int32).reshape(B, 1, M)

    li = jnp.arange(L, dtype=jnp.int32)[None, :]
    si = jnp.arange(P, dtype=jnp.int32)[:, None]
    sel = (li // P == si).astype(jnp.float32)
    p1 = jnp.transpose((li == si * P).astype(jnp.float32))
    p2 = jnp.transpose((li == si * P + (P - 1)).astype(jnp.float32))
    pc = jnp.concatenate([p1, p2], axis=1)

    BB = 4
    cspec = lambda shp: pl.BlockSpec(shp, lambda b: (0,) * len(shp))
    out = pl.pallas_call(
        functools.partial(_body, bb=BB, p=P),
        grid=(B // BB,),
        in_specs=[
            pl.BlockSpec((BB, 1, M), lambda b: (b, 0, 0)),
            cspec((L, 2 * P)), cspec((P, L)),
            pl.BlockSpec((BB, G, L), lambda b: (b, 0, 0)),
        ],
        out_specs=pl.BlockSpec((BB, G, L), lambda b: (b, 0, 0)),
        out_shape=jax.ShapeDtypeStruct((B, G, L), patches.dtype),
    )(idx3, pc, sel, patches.reshape(B, G, L))
    return out.reshape(B, N, P)

# --- scband reference (transcript-rebuilt; emitter-appended) ---
"""Pipeline reference for scband-linear-mask-18408229831014 (READ-ONLY COPY).

The authoritative reference and input builder live on the scoring server;
editing this copy changes nothing except your own understanding.
"""

import jax, jax.numpy as jnp
import numpy as np


def setup_inputs(seed: int = 0) -> dict:
    key = jax.random.key(seed)
    k1, k2 = jax.random.split(key)
    patches = jax.random.normal(k1, (128, 4096, 64), dtype=jnp.float32)
    masked_indices = jax.random.randint(k2, (128, 1024), 0, 4096, dtype=jnp.int64)
    return {"patches": patches, "masked_indices": masked_indices}


def reference(patches, masked_indices):
    # Faithful vectorized translation of the torch double loop:
    # for each batch b and each masked index i, replace patches[b, i]
    # with torch.linspace(patches[b, i, 0], patches[b, i, -1], steps=P).
    # Endpoints of linspace equal the original endpoints, so the in-place
    # sequential loop (even with duplicate indices) is equivalent to a
    # single scatter-overwrite of the interpolated rows.
    B, N, P = patches.shape
    t = jnp.linspace(0.0, 1.0, P, dtype=patches.dtype)  # [P]
    b_idx = jnp.arange(B)[:, None]                      # [B, 1]
    starts = patches[b_idx, masked_indices, 0]          # [B, M] gather
    ends = patches[b_idx, masked_indices, -1]           # [B, M] gather
    new_rows = starts[..., None] + (ends - starts)[..., None] * t  # [B, M, P]
    out = patches.at[b_idx, masked_indices].set(new_rows)          # scatter-overwrite
    return out

if __name__ == "__main__":
    import jax
    _d = setup_inputs()
    print(jax.jit(kernel)(*tuple(_d.values())))

</pallas_src>

<mosaic_0001>
module attributes {stable_mosaic.version = 14 : i64} {
  func.func @_body(%arg0: i32, %arg1: memref<4x1x1024xi32, #tpu.memory_space<vmem>>, %arg2: memref<4096x128xf32, #tpu.memory_space<vmem>>, %arg3: memref<64x4096xf32, #tpu.memory_space<vmem>>, %arg4: memref<4x64x4096xf32, #tpu.memory_space<vmem>>, %arg5: memref<4x64x4096xf32, #tpu.memory_space<vmem>>) attributes {dimension_semantics = [#tpu.dimension_semantics<arbitrary>], iteration_bounds = array<i64: 32>, scalar_prefetch = 0 : i64, scratch_operands = 0 : i64, tpu.core_type = #tpu.core_type<tc>, window_params = [{transform_indices = @transform_0, window_bounds = array<i64: 4, 1, 1024>}, {pipeline_mode = #tpu.pipeline_mode<synchronous>, transform_indices = @transform_1, window_bounds = array<i64: 4096, 128>}, {pipeline_mode = #tpu.pipeline_mode<synchronous>, transform_indices = @transform_2, window_bounds = array<i64: 64, 4096>}, {transform_indices = @transform_3, window_bounds = array<i64: 4, 64, 4096>}, {transform_indices = @transform_4, window_bounds = array<i64: 4, 64, 4096>}]} {
    %get3A = arith.constant 0 : index
    %get3A_0 = arith.constant 0 : index
    %get3A_1 = vector.load %arg2[%get3A, %get3A_0] : memref<4096x128xf32, #tpu.memory_space<vmem>>, vector<4096x128xf32>
    %get3A_2 = arith.constant 0 : index
    %get3A_3 = arith.constant 0 : index
    %get3A_4 = vector.load %arg3[%get3A_2, %get3A_3] : memref<64x4096xf32, #tpu.memory_space<vmem>>, vector<64x4096xf32>
    %iota3A = tpu.iota {dimensions = array<i32: 0>} : vector<64x1xi32>
    %iota3A_5 = tpu.iota {dimensions = array<i32: 1>} : vector<1x4096xi32>
    %jit3A = arith.constant 64 : i32
    %eq3A = arith.constant 0 : i32
    %eq3A_6 = arith.cmpi eq, %jit3A, %eq3A : i32
    %jit3A_7 = arith.constant 1 : i32
    %select_n3A = arith.select %eq3A_6, %jit3A_7, %jit3A : i32
    %rem3A = vector.broadcast %select_n3A : i32 to vector<1x4096xi32>
    %rem3A_8 = arith.remsi %iota3A_5, %rem3A : vector<1x4096xi32>
    %ne3A = arith.constant 0 : i32
    %ne3A_9 = vector.broadcast %ne3A : i32 to vector<1x4096xi32>
    %ne3A_10 = arith.cmpi ne, %rem3A_8, %ne3A_9 : vector<1x4096xi32>
    %lt3A = arith.constant 0 : i32
    %lt3A_11 = vector.broadcast %lt3A : i32 to vector<1x4096xi32>
    %lt3A_12 = arith.cmpi slt, %rem3A_8, %lt3A_11 : vector<1x4096xi32>
    %lt3A_13 = arith.constant 0 : i32
    %lt3A_14 = arith.cmpi slt, %select_n3A, %lt3A_13 : i32
    %ne3A_15 = vector.broadcast %lt3A_14 : i1 to vector<1x4096xi1>
    %ne3A_16 = vector.broadcast %ne3A_15 : vector<1x4096xi1> to vector<1x4096xi1>
    %ne3A_17 = arith.xori %lt3A_12, %ne3A_16 : vector<1x4096xi1>
    %and3A = arith.andi %ne3A_17, %ne3A_10 : vector<1x4096xi1>
    %add3A = vector.broadcast %select_n3A : i32 to vector<1x4096xi32>
    %add3A_18 = arith.addi %rem3A_8, %add3A : vector<1x4096xi32>
    %select_n3A_19 = arith.select %and3A, %add3A_18, %rem3A_8 : vector<1x4096xi1>, vector<1x4096xi32>
    %convert_element_type3A = arith.sitofp %select_n3A_19 : vector<1x4096xi32> to vector<1x4096xf32>
    %div3A = arith.constant 6.300000e+01 : f32
    %div3A_20 = vector.broadcast %div3A : f32 to vector<1x4096xf32>
    %div3A_21 = arith.divf %convert_element_type3A, %div3A_20 : vector<1x4096xf32>
    %get3A_22 = arith.constant 0 : index
    %get3A_23 = arith.constant 0 : index
    %get3A_24 = arith.constant 0 : index
    %get3A_25 = vector.load %arg1[%get3A_22, %get3A_23, %get3A_24] : memref<4x1x1024xi32, #tpu.memory_space<vmem>>, vector<1x1x1024xi32>
    %get3A_26 = vector.shape_cast %get3A_25 : vector<1x1x1024xi32> to vector<1x1024xi32>
    %jit3A_27 = arith.constant 64 : i32
    %div3A_28 = vector.broadcast %jit3A_27 : i32 to vector<1x1024xi32>
    %div3A_29 = arith.divsi %get3A_26, %div3A_28 : vector<1x1024xi32>
    %sign3A = arith.constant 0 : i32
    %sign3A_30 = vector.broadcast %sign3A : i32 to vector<1x1024xi32>
    %sign3A_31 = arith.cmpi sgt, %get3A_26, %sign3A_30 : vector<1x1024xi32>
    %sign3A_32 = arith.extui %sign3A_31 : vector<1x1024xi1> to vector<1x1024xi32>
    %sign3A_33 = arith.constant 0 : i32
    %sign3A_34 = vector.broadcast %sign3A_33 : i32 to vector<1x1024xi32>
    %sign3A_35 = arith.cmpi slt, %get3A_26, %sign3A_34 : vector<1x1024xi32>
    %sign3A_36 = arith.extui %sign3A_35 : vector<1x1024xi1> to vector<1x1024xi32>
    %sign3A_37 = arith.subi %sign3A_32, %sign3A_36 : vector<1x1024xi32>
    %sign3A_38 = arith.constant 0 : i32
    %sign3A_39 = arith.cmpi sgt, %jit3A_27, %sign3A_38 : i32
    %sign3A_40 = arith.extui %sign3A_39 : i1 to i32
    %sign3A_41 = arith.constant 0 : i32
    %sign3A_42 = arith.cmpi slt, %jit3A_27, %sign3A_41 : i32
    %sign3A_43 = arith.extui %sign3A_42 : i1 to i32
    %sign3A_44 = arith.subi %sign3A_40, %sign3A_43 : i32
    %ne3A_45 = vector.broadcast %sign3A_44 : i32 to vector<1x1024xi32>
    %ne3A_46 = arith.cmpi ne, %sign3A_37, %ne3A_45 : vector<1x1024xi32>
    %rem3A_47 = vector.broadcast %jit3A_27 : i32 to vector<1x1024xi32>
    %rem3A_48 = arith.remsi %get3A_26, %rem3A_47 : vector<1x1024xi32>
    %ne3A_49 = arith.constant 0 : i32
    %ne3A_50 = vector.broadcast %ne3A_49 : i32 to vector<1x1024xi32>
    %ne3A_51 = arith.cmpi ne, %rem3A_48, %ne3A_50 : vector<1x1024xi32>
    %and3A_52 = arith.andi %ne3A_46, %ne3A_51 : vector<1x1024xi1>
    %sub3A = arith.constant 1 : i32
    %sub3A_53 = vector.broadcast %sub3A : i32 to vector<1x1024xi32>
    %sub3A_54 = arith.subi %div3A_29, %sub3A_53 : vector<1x1024xi32>
    %select_n3A_55 = arith.select %and3A_52, %sub3A_54, %div3A_29 : vector<1x1024xi1>, vector<1x1024xi32>
    %jit3A_56 = arith.constant 64 : i32
    %eq3A_57 = arith.constant 0 : i32
    %eq3A_58 = arith.cmpi eq, %jit3A_56, %eq3A_57 : i32
    %jit3A_59 = arith.constant 1 : i32
    %select_n3A_60 = arith.select %eq3A_58, %jit3A_59, %jit3A_56 : i32
    %rem3A_61 = vector.broadcast %select_n3A_60 : i32 to vector<1x1024xi32>
    %rem3A_62 = arith.remsi %get3A_26, %rem3A_61 : vector<1x1024xi32>
    %ne3A_63 = arith.constant 0 : i32
    %ne3A_64 = vector.broadcast %ne3A_63 : i32 to vector<1x1024xi32>
    %ne3A_65 = arith.cmpi ne, %rem3A_62, %ne3A_64 : vector<1x1024xi32>
    %lt3A_66 = arith.constant 0 : i32
    %lt3A_67 = vector.broadcast %lt3A_66 : i32 to vector<1x1024xi32>
    %lt3A_68 = arith.cmpi slt, %rem3A_62, %lt3A_67 : vector<1x1024xi32>
    %lt3A_69 = arith.constant 0 : i32
    %lt3A_70 = arith.cmpi slt, %select_n3A_60, %lt3A_69 : i32
    %ne3A_71 = vector.broadcast %lt3A_70 : i1 to vector<1x1024xi1>
    %ne3A_72 = vector.broadcast %ne3A_71 : vector<1x1024xi1> to vector<1x1024xi1>
    %ne3A_73 = arith.xori %lt3A_68, %ne3A_72 : vector<1x1024xi1>
    %and3A_74 = arith.andi %ne3A_73, %ne3A_65 : vector<1x1024xi1>
    %add3A_75 = vector.broadcast %select_n3A_60 : i32 to vector<1x1024xi32>
    %add3A_76 = arith.addi %rem3A_62, %add3A_75 : vector<1x1024xi32>
    %select_n3A_77 = arith.select %and3A_74, %add3A_76, %rem3A_62 : vector<1x1024xi1>, vector<1x1024xi32>
    %eq3A_78 = vector.broadcast %iota3A : vector<64x1xi32> to vector<64x1024xi32>
    %eq3A_79 = vector.broadcast %select_n3A_55 : vector<1x1024xi32> to vector<64x1024xi32>
    %eq3A_80 = arith.cmpi eq, %eq3A_78, %eq3A_79 : vector<64x1024xi32>
    %convert_element_type3A_81 = arith.extui %eq3A_80 : vector<64x1024xi1> to vector<64x1024xi32>
    %convert_element_type3A_82 = arith.sitofp %convert_element_type3A_81 : vector<64x1024xi32> to vector<64x1024xf32>
    %eq3A_83 = vector.broadcast %iota3A : vector<64x1xi32> to vector<64x1024xi32>
    %eq3A_84 = vector.broadcast %select_n3A_77 : vector<1x1024xi32> to vector<64x1024xi32>
    %eq3A_85 = arith.cmpi eq, %eq3A_83, %eq3A_84 : vector<64x1024xi32>
    %convert_element_type3A_86 = arith.extui %eq3A_85 : vector<64x1024xi1> to vector<64x1024xi32>
    %convert_element_type3A_87 = arith.sitofp %convert_element_type3A_86 : vector<64x1024xi32> to vector<64x1024xf32>
    %dot_general3A = arith.constant dense<0.000000e+00> : vector<64x64xf32>
    %dot_general3A_88 = tpu.matmul %convert_element_type3A_82, %convert_element_type3A_87, %dot_general3A {dimension_numbers = #tpu.dot_dimension_numbers<[1], [1], [0], [0], [0, 0, 1, 0], [], []>, transpose_lhs_hint = false} : vector<64x1024xf32>, vector<64x1024xf32>, vector<64x64xf32> -> vector<64x64xf32>
    %get3A_89 = arith.constant 0 : index
    %get3A_90 = arith.constant 0 : index
    %get3A_91 = arith.constant 0 : index
    %get3A_92 = vector.load %arg4[%get3A_89, %get3A_90, %get3A_91] : memref<4x64x4096xf32, #tpu.memory_space<vmem>>, vector<1x64x4096xf32>
    %get3A_93 = vector.shape_cast %get3A_92 : vector<1x64x4096xf32> to vector<64x4096xf32>
    %dot_general3A_94 = arith.constant dense<0.000000e+00> : vector<64x128xf32>
    %dot_general3A_95 = tpu.matmul %get3A_93, %get3A_1, %dot_general3A_94 {dimension_numbers = #tpu.dot_dimension_numbers<[1], [0], [0], [1], [0, 0, 1, 1], [], []>, transpose_lhs_hint = false} : vector<64x4096xf32>, vector<4096x128xf32>, vector<64x128xf32> -> vector<64x128xf32>
    %slice3A = vector.extract_strided_slice %dot_general3A_95 {offsets = [0, 0], sizes = [64, 64], strides = [1, 1]} : vector<64x128xf32> to vector<64x64xf32>
    %slice3A_96 = vector.extract_strided_slice %dot_general3A_95 {offsets = [0, 64], sizes = [64, 64], strides = [1, 1]} : vector<64x128xf32> to vector<64x64xf32>
    %concatenate3A = tpu.concatenate %slice3A, %slice3A_96, %dot_general3A_88 in 0 : vector<64x64xf32>, vector<64x64xf32>, vector<64x64xf32> -> vector<192x64xf32>
    %dot_general3A_97 = arith.constant dense<0.000000e+00> : vector<192x4096xf32>
    %dot_general3A_98 = tpu.matmul %concatenate3A, %get3A_4, %dot_general3A_97 {dimension_numbers = #tpu.dot_dimension_numbers<[1], [0], [0], [1], [0, 0, 1, 1], [], []>, transpose_lhs_hint = false} : vector<192x64xf32>, vector<64x4096xf32>, vector<192x4096xf32> -> vector<192x4096xf32>
    %slice3A_99 = vector.extract_strided_slice %dot_general3A_98 {offsets = [0, 0], sizes = [64, 4096], strides = [1, 1]} : vector<192x4096xf32> to vector<64x4096xf32>
    %slice3A_100 = vector.extract_strided_slice %dot_general3A_98 {offsets = [64, 0], sizes = [64, 4096], strides = [1, 1]} : vector<192x4096xf32> to vector<64x4096xf32>
    %slice3A_101 = vector.extract_strided_slice %dot_general3A_98 {offsets = [128, 0], sizes = [64, 4096], strides = [1, 1]} : vector<192x4096xf32> to vector<64x4096xf32>
    %sub3A_102 = arith.subf %slice3A_100, %slice3A_99 : vector<64x4096xf32>
    %mul3A = vector.broadcast %div3A_21 : vector<1x4096xf32> to vector<64x4096xf32>
    %mul3A_103 = arith.mulf %sub3A_102, %mul3A : vector<64x4096xf32>
    %add3A_104 = arith.addf %slice3A_99, %mul3A_103 : vector<64x4096xf32>
    %gt3A = arith.constant 0.000000e+00 : f32
    %gt3A_105 = vector.broadcast %gt3A : f32 to vector<64x4096xf32>
    %gt3A_106 = arith.cmpf ogt, %slice3A_101, %gt3A_105 : vector<64x4096xf32>
    %select_n3A_107 = arith.select %gt3A_106, %add3A_104, %get3A_93 : vector<64x4096xi1>, vector<64x4096xf32>
    %swap3A = arith.constant 0 : index
    %swap3A_108 = arith.constant 0 : index
    %swap3A_109 = arith.constant 0 : index
    %swap3A_110 = vector.load %arg5[%swap3A, %swap3A_108, %swap3A_109] : memref<4x64x4096xf32, #tpu.memory_space<vmem>>, vector<1x64x4096xf32>
    %swap3A_111 = vector.shape_cast %swap3A_110 : vector<1x64x4096xf32> to vector<64x4096xf32>
    %swap3A_112 = vector.shape_cast %select_n3A_107 : vector<64x4096xf32> to vector<1x64x4096xf32>
    tpu.vector_store %arg5[%swap3A, %swap3A_108, %swap3A_109], %swap3A_112 {strides = array<i32>} : memref<4x64x4096xf32, #tpu.memory_space<vmem>>, vector<1x64x4096xf32>,
    %get3A_113 = arith.constant 1 : index
    %get3A_114 = arith.constant 0 : index
    %get3A_115 = arith.constant 0 : index
    %get3A_116 = vector.load %arg1[%get3A_113, %get3A_114, %get3A_115] : memref<4x1x1024xi32, #tpu.memory_space<vmem>>, vector<1x1x1024xi32>
    %get3A_117 = vector.shape_cast %get3A_116 : vector<1x1x1024xi32> to vector<1x1024xi32>
    %jit3A_118 = arith.constant 64 : i32
    %div3A_119 = vector.broadcast %jit3A_118 : i32 to vector<1x1024xi32>
    %div3A_120 = arith.divsi %get3A_117, %div3A_119 : vector<1x1024xi32>
    %sign3A_121 = arith.constant 0 : i32
    %sign3A_122 = vector.broadcast %sign3A_121 : i32 to vector<1x1024xi32>
    %sign3A_123 = arith.cmpi sgt, %get3A_117, %sign3A_122 : vector<1x1024xi32>
    %sign3A_124 = arith.extui %sign3A_123 : vector<1x1024xi1> to vector<1x1024xi32>
    %sign3A_125 = arith.constant 0 : i32
    %sign3A_126 = vector.broadcast %sign3A_125 : i32 to vector<1x1024xi32>
    %sign3A_127 = arith.cmpi slt, %get3A_117, %sign3A_126 : vector<1x1024xi32>
    %sign3A_128 = arith.extui %sign3A_127 : vector<1x1024xi1> to vector<1x1024xi32>
    %sign3A_129 = arith.subi %sign3A_124, %sign3A_128 : vector<1x1024xi32>
    %sign3A_130 = arith.constant 0 : i32
    %sign3A_131 = arith.cmpi sgt, %jit3A_118, %sign3A_130 : i32
    %sign3A_132 = arith.extui %sign3A_131 : i1 to i32
    %sign3A_133 = arith.constant 0 : i32
    %sign3A_134 = arith.cmpi slt, %jit3A_118, %sign3A_133 : i32
    %sign3A_135 = arith.extui %sign3A_134 : i1 to i32
    %sign3A_136 = arith.subi %sign3A_132, %sign3A_135 : i32
    %ne3A_137 = vector.broadcast %sign3A_136 : i32 to vector<1x1024xi32>
    %ne3A_138 = arith.cmpi ne, %sign3A_129, %ne3A_137 : vector<1x1024xi32>
    %rem3A_139 = vector.broadcast %jit3A_118 : i32 to vector<1x1024xi32>
    %rem3A_140 = arith.remsi %get3A_117, %rem3A_139 : vector<1x1024xi32>
    %ne3A_141 = arith.constant 0 : i32
    %ne3A_142 = vector.broadcast %ne3A_141 : i32 to vector<1x1024xi32>
    %ne3A_143 = arith.cmpi ne, %rem3A_140, %ne3A_142 : vector<1x1024xi32>
    %and3A_144 = arith.andi %ne3A_138, %ne3A_143 : vector<1x1024xi1>
    %sub3A_145 = arith.constant 1 : i32
    %sub3A_146 = vector.broadcast %sub3A_145 : i32 to vector<1x1024xi32>
    %sub3A_147 = arith.subi %div3A_120, %sub3A_146 : vector<1x1024xi32>
    %select_n3A_148 = arith.select %and3A_144, %sub3A_147, %div3A_120 : vector<1x1024xi1>, vector<1x1024xi32>
    %jit3A_149 = arith.constant 64 : i32
    %eq3A_150 = arith.constant 0 : i32
    %eq3A_151 = arith.cmpi eq, %jit3A_149, %eq3A_150 : i32
    %jit3A_152 = arith.constant 1 : i32
    %select_n3A_153 = arith.select %eq3A_151, %jit3A_152, %jit3A_149 : i32
    %rem3A_154 = vector.broadcast %select_n3A_153 : i32 to vector<1x1024xi32>
    %rem3A_155 = arith.remsi %get3A_117, %rem3A_154 : vector<1x1024xi32>
    %ne3A_156 = arith.constant 0 : i32
    %ne3A_157 = vector.broadcast %ne3A_156 : i32 to vector<1x1024xi32>
    %ne3A_158 = arith.cmpi ne, %rem3A_155, %ne3A_157 : vector<1x1024xi32>
    %lt3A_159 = arith.constant 0 : i32
    %lt3A_160 = vector.broadcast %lt3A_159 : i32 to vector<1x1024xi32>
    %lt3A_161 = arith.cmpi slt, %rem3A_155, %lt3A_160 : vector<1x1024xi32>
    %lt3A_162 = arith.constant 0 : i32
    %lt3A_163 = arith.cmpi slt, %select_n3A_153, %lt3A_162 : i32
    %ne3A_164 = vector.broadcast %lt3A_163 : i1 to vector<1x1024xi1>
    %ne3A_165 = vector.broadcast %ne3A_164 : vector<1x1024xi1> to vector<1x1024xi1>
    %ne3A_166 = arith.xori %lt3A_161, %ne3A_165 : vector<1x1024xi1>
    %and3A_167 = arith.andi %ne3A_166, %ne3A_158 : vector<1x1024xi1>
    %add3A_168 = vector.broadcast %select_n3A_153 : i32 to vector<1x1024xi32>
    %add3A_169 = arith.addi %rem3A_155, %add3A_168 : vector<1x1024xi32>
    %select_n3A_170 = arith.select %and3A_167, %add3A_169, %rem3A_155 : vector<1x1024xi1>, vector<1x1024xi32>
    %eq3A_171 = vector.broadcast %iota3A : vector<64x1xi32> to vector<64x1024xi32>
    %eq3A_172 = vector.broadcast %select_n3A_148 : vector<1x1024xi32> to vector<64x1024xi32>
    %eq3A_173 = arith.cmpi eq, %eq3A_171, %eq3A_172 : vector<64x1024xi32>
    %convert_element_type3A_174 = arith.extui %eq3A_173 : vector<64x1024xi1> to vector<64x1024xi32>
    %convert_element_type3A_175 = arith.sitofp %convert_element_type3A_174 : vector<64x1024xi32> to vector<64x1024xf32>
    %eq3A_176 = vector.broadcast %iota3A : vector<64x1xi32> to vector<64x1024xi32>
    %eq3A_177 = vector.broadcast %select_n3A_170 : vector<1x1024xi32> to vector<64x1024xi32>
    %eq3A_178 = arith.cmpi eq, %eq3A_176, %eq3A_177 : vector<64x1024xi32>
    %convert_element_type3A_179 = arith.extui %eq3A_178 : vector<64x1024xi1> to vector<64x1024xi32>
    %convert_element_type3A_180 = arith.sitofp %convert_element_type3A_179 : vector<64x1024xi32> to vector<64x1024xf32>
    %dot_general3A_181 = arith.constant dense<0.000000e+00> : vector<64x64xf32>
    %dot_general3A_182 = tpu.matmul %convert_element_type3A_175, %convert_element_type3A_180, %dot_general3A_181 {dimension_numbers = #tpu.dot_dimension_numbers<[1], [1], [0], [0], [0, 0, 1, 0], [], []>, transpose_lhs_hint = false} : vector<64x1024xf32>, vector<64x1024xf32>, vector<64x64xf32> -> vector<64x64xf32>
    %get3A_183 = arith.constant 1 : index
    %get3A_184 = arith.constant 0 : index
    %get3A_185 = arith.constant 0 : index
    %get3A_186 = vector.load %arg4[%get3A_183, %get3A_184, %get3A_185] : memref<4x64x4096xf32, #tpu.memory_space<vmem>>, vector<1x64x4096xf32>
    %get3A_187 = vector.shape_cast %get3A_186 : vector<1x64x4096xf32> to vector<64x4096xf32>
    %dot_general3A_188 = arith.constant dense<0.000000e+00> : vector<64x128xf32>
    %dot_general3A_189 = tpu.matmul %get3A_187, %get3A_1, %dot_general3A_188 {dimension_numbers = #tpu.dot_dimension_numbers<[1], [0], [0], [1], [0, 0, 1, 1], [], []>, transpose_lhs_hint = false} : vector<64x4096xf32>, vector<4096x128xf32>, vector<64x128xf32> -> vector<64x128xf32>
    %slice3A_190 = vector.extract_strided_slice %dot_general3A_189 {offsets = [0, 0], sizes = [64, 64], strides = [1, 1]} : vector<64x128xf32> to vector<64x64xf32>
    %slice3A_191 = vector.extract_strided_slice %dot_general3A_189 {offsets = [0, 64], sizes = [64, 64], strides = [1, 1]} : vector<64x128xf32> to vector<64x64xf32>
    %concatenate3A_192 = tpu.concatenate %slice3A_190, %slice3A_191, %dot_general3A_182 in 0 : vector<64x64xf32>, vector<64x64xf32>, vector<64x64xf32> -> vector<192x64xf32>
    %dot_general3A_193 = arith.constant dense<0.000000e+00> : vector<192x4096xf32>
    %dot_general3A_194 = tpu.matmul %concatenate3A_192, %get3A_4, %dot_general3A_193 {dimension_numbers = #tpu.dot_dimension_numbers<[1], [0], [0], [1], [0, 0, 1, 1], [], []>, transpose_lhs_hint = false} : vector<192x64xf32>, vector<64x4096xf32>, vector<192x4096xf32> -> vector<192x4096xf32>
    %slice3A_195 = vector.extract_strided_slice %dot_general3A_194 {offsets = [0, 0], sizes = [64, 4096], strides = [1, 1]} : vector<192x4096xf32> to vector<64x4096xf32>
    %slice3A_196 = vector.extract_strided_slice %dot_general3A_194 {offsets = [64, 0], sizes = [64, 4096], strides = [1, 1]} : vector<192x4096xf32> to vector<64x4096xf32>
    %slice3A_197 = vector.extract_strided_slice %dot_general3A_194 {offsets = [128, 0], sizes = [64, 4096], strides = [1, 1]} : vector<192x4096xf32> to vector<64x4096xf32>
    %sub3A_198 = arith.subf %slice3A_196, %slice3A_195 : vector<64x4096xf32>
    %mul3A_199 = vector.broadcast %div3A_21 : vector<1x4096xf32> to vector<64x4096xf32>
    %mul3A_200 = arith.mulf %sub3A_198, %mul3A_199 : vector<64x4096xf32>
    %add3A_201 = arith.addf %slice3A_195, %mul3A_200 : vector<64x4096xf32>
    %gt3A_202 = arith.constant 0.000000e+00 : f32
    %gt3A_203 = vector.broadcast %gt3A_202 : f32 to vector<64x4096xf32>
    %gt3A_204 = arith.cmpf ogt, %slice3A_197, %gt3A_203 : vector<64x4096xf32>
    %select_n3A_205 = arith.select %gt3A_204, %add3A_201, %get3A_187 : vector<64x4096xi1>, vector<64x4096xf32>
    %swap3A_206 = arith.constant 1 : index
    %swap3A_207 = arith.constant 0 : index
    %swap3A_208 = arith.constant 0 : index
    %swap3A_209 = vector.load %arg5[%swap3A_206, %swap3A_207, %swap3A_208] : memref<4x64x4096xf32, #tpu.memory_space<vmem>>, vector<1x64x4096xf32>
    %swap3A_210 = vector.shape_cast %swap3A_209 : vector<1x64x4096xf32> to vector<64x4096xf32>
    %swap3A_211 = vector.shape_cast %select_n3A_205 : vector<64x4096xf32> to vector<1x64x4096xf32>
    tpu.vector_store %arg5[%swap3A_206, %swap3A_207, %swap3A_208], %swap3A_211 {strides = array<i32>} : memref<4x64x4096xf32, #tpu.memory_space<vmem>>, vector<1x64x4096xf32>,
    %get3A_212 = arith.constant 2 : index
    %get3A_213 = arith.constant 0 : index
    %get3A_214 = arith.constant 0 : index
    %get3A_215 = vector.load %arg1[%get3A_212, %get3A_213, %get3A_214] : memref<4x1x1024xi32, #tpu.memory_space<vmem>>, vector<1x1x1024xi32>
    %get3A_216 = vector.shape_cast %get3A_215 : vector<1x1x1024xi32> to vector<1x1024xi32>
    %jit3A_217 = arith.constant 64 : i32
    %div3A_218 = vector.broadcast %jit3A_217 : i32 to vector<1x1024xi32>
    %div3A_219 = arith.divsi %get3A_216, %div3A_218 : vector<1x1024xi32>
    %sign3A_220 = arith.constant 0 : i32
    %sign3A_221 = vector.broadcast %sign3A_220 : i32 to vector<1x1024xi32>
    %sign3A_222 = arith.cmpi sgt, %get3A_216, %sign3A_221 : vector<1x1024xi32>
    %sign3A_223 = arith.extui %sign3A_222 : vector<1x1024xi1> to vector<1x1024xi32>
    %sign3A_224 = arith.constant 0 : i32
    %sign3A_225 = vector.broadcast %sign3A_224 : i32 to vector<1x1024xi32>
    %sign3A_226 = arith.cmpi slt, %get3A_216, %sign3A_225 : vector<1x1024xi32>
    %sign3A_227 = arith.extui %sign3A_226 : vector<1x1024xi1> to vector<1x1024xi32>
    %sign3A_228 = arith.subi %sign3A_223, %sign3A_227 : vector<1x1024xi32>
    %sign3A_229 = arith.constant 0 : i32
    %sign3A_230 = arith.cmpi sgt, %jit3A_217, %sign3A_229 : i32
    %sign3A_231 = arith.extui %sign3A_230 : i1 to i32
    %sign3A_232 = arith.constant 0 : i32
    %sign3A_233 = arith.cmpi slt, %jit3A_217, %sign3A_232 : i32
    %sign3A_234 = arith.extui %sign3A_233 : i1 to i32
    %sign3A_235 = arith.subi %sign3A_231, %sign3A_234 : i32
    %ne3A_236 = vector.broadcast %sign3A_235 : i32 to vector<1x1024xi32>
    %ne3A_237 = arith.cmpi ne, %sign3A_228, %ne3A_236 : vector<1x1024xi32>
    %rem3A_238 = vector.broadcast %jit3A_217 : i32 to vector<1x1024xi32>
    %rem3A_239 = arith.remsi %get3A_216, %rem3A_238 : vector<1x1024xi32>
    %ne3A_240 = arith.constant 0 : i32
    %ne3A_241 = vector.broadcast %ne3A_240 : i32 to vector<1x1024xi32>
    %ne3A_242 = arith.cmpi ne, %rem3A_239, %ne3A_241 : vector<1x1024xi32>
    %and3A_243 = arith.andi %ne3A_237, %ne3A_242 : vector<1x1024xi1>
    %sub3A_244 = arith.constant 1 : i32
    %sub3A_245 = vector.broadcast %sub3A_244 : i32 to vector<1x1024xi32>
    %sub3A_246 = arith.subi %div3A_219, %sub3A_245 : vector<1x1024xi32>
    %select_n3A_247 = arith.select %and3A_243, %sub3A_246, %div3A_219 : vector<1x1024xi1>, vector<1x1024xi32>
    %jit3A_248 = arith.constant 64 : i32
    %eq3A_249 = arith.constant 0 : i32
    %eq3A_250 = arith.cmpi eq, %jit3A_248, %eq3A_249 : i32
    %jit3A_251 = arith.constant 1 : i32
    %select_n3A_252 = arith.select %eq3A_250, %jit3A_251, %jit3A_248 : i32
    %rem3A_253 = vector.broadcast %select_n3A_252 : i32 to vector<1x1024xi32>
    %rem3A_254 = arith.remsi %get3A_216, %rem3A_253 : vector<1x1024xi32>
    %ne3A_255 = arith.constant 0 : i32
    %ne3A_256 = vector.broadcast %ne3A_255 : i32 to vector<1x1024xi32>
    %ne3A_257 = arith.cmpi ne, %rem3A_254, %ne3A_256 : vector<1x1024xi32>
    %lt3A_258 = arith.constant 0 : i32
    %lt3A_259 = vector.broadcast %lt3A_258 : i32 to vector<1x1024xi32>
    %lt3A_260 = arith.cmpi slt, %rem3A_254, %lt3A_259 : vector<1x1024xi32>
    %lt3A_261 = arith.constant 0 : i32
    %lt3A_262 = arith.cmpi slt, %select_n3A_252, %lt3A_261 : i32
    %ne3A_263 = vector.broadcast %lt3A_262 : i1 to vector<1x1024xi1>
    %ne3A_264 = vector.broadcast %ne3A_263 : vector<1x1024xi1> to vector<1x1024xi1>
    %ne3A_265 = arith.xori %lt3A_260, %ne3A_264 : vector<1x1024xi1>
    %and3A_266 = arith.andi %ne3A_265, %ne3A_257 : vector<1x1024xi1>
    %add3A_267 = vector.broadcast %select_n3A_252 : i32 to vector<1x1024xi32>
    %add3A_268 = arith.addi %rem3A_254, %add3A_267 : vector<1x1024xi32>
    %select_n3A_269 = arith.select %and3A_266, %add3A_268, %rem3A_254 : vector<1x1024xi1>, vector<1x1024xi32>
    %eq3A_270 = vector.broadcast %iota3A : vector<64x1xi32> to vector<64x1024xi32>
    %eq3A_271 = vector.broadcast %select_n3A_247 : vector<1x1024xi32> to vector<64x1024xi32>
    %eq3A_272 = arith.cmpi eq, %eq3A_270, %eq3A_271 : vector<64x1024xi32>
    %convert_element_type3A_273 = arith.extui %eq3A_272 : vector<64x1024xi1> to vector<64x1024xi32>
    %convert_element_type3A_274 = arith.sitofp %convert_element_type3A_273 : vector<64x1024xi32> to vector<64x1024xf32>
    %eq3A_275 = vector.broadcast %iota3A : vector<64x1xi32> to vector<64x1024xi32>
    %eq3A_276 = vector.broadcast %select_n3A_269 : vector<1x1024xi32> to vector<64x1024xi32>
    %eq3A_277 = arith.cmpi eq, %eq3A_275, %eq3A_276 : vector<64x1024xi32>
    %convert_element_type3A_278 = arith.extui %eq3A_277 : vector<64x1024xi1> to vector<64x1024xi32>
    %convert_element_type3A_279 = arith.sitofp %convert_element_type3A_278 : vector<64x1024xi32> to vector<64x1024xf32>
    %dot_general3A_280 = arith.constant dense<0.000000e+00> : vector<64x64xf32>
    %dot_general3A_281 = tpu.matmul %convert_element_type3A_274, %convert_element_type3A_279, %dot_general3A_280 {dimension_numbers = #tpu.dot_dimension_numbers<[1], [1], [0], [0], [0, 0, 1, 0], [], []>, transpose_lhs_hint = false} : vector<64x1024xf32>, vector<64x1024xf32>, vector<64x64xf32> -> vector<64x64xf32>
    %get3A_282 = arith.constant 2 : index
    %get3A_283 = arith.constant 0 : index
    %get3A_284 = arith.constant 0 : index
    %get3A_285 = vector.load %arg4[%get3A_282, %get3A_283, %get3A_284] : memref<4x64x4096xf32, #tpu.memory_space<vmem>>, vector<1x64x4096xf32>
    %get3A_286 = vector.shape_cast %get3A_285 : vector<1x64x4096xf32> to vector<64x4096xf32>
    %dot_general3A_287 = arith.constant dense<0.000000e+00> : vector<64x128xf32>
    %dot_general3A_288 = tpu.matmul %get3A_286, %get3A_1, %dot_general3A_287 {dimension_numbers = #tpu.dot_dimension_numbers<[1], [0], [0], [1], [0, 0, 1, 1], [], []>, transpose_lhs_hint = false} : vector<64x4096xf32>, vector<4096x128xf32>, vector<64x128xf32> -> vector<64x128xf32>
    %slice3A_289 = vector.extract_strided_slice %dot_general3A_288 {offsets = [0, 0], sizes = [64, 64], strides = [1, 1]} : vector<64x128xf32> to vector<64x64xf32>
    %slice3A_290 = vector.extract_strided_slice %dot_general3A_288 {offsets = [0, 64], sizes = [64, 64], strides = [1, 1]} : vector<64x128xf32> to vector<64x64xf32>
    %concatenate3A_291 = tpu.concatenate %slice3A_289, %slice3A_290, %dot_general3A_281 in 0 : vector<64x64xf32>, vector<64x64xf32>, vector<64x64xf32> -> vector<192x64xf32>
    %dot_general3A_292 = arith.constant dense<0.000000e+00> : vector<192x4096xf32>
    %dot_general3A_293 = tpu.matmul %concatenate3A_291, %get3A_4, %dot_general3A_292 {dimension_numbers = #tpu.dot_dimension_numbers<[1], [0], [0], [1], [0, 0, 1, 1], [], []>, transpose_lhs_hint = false} : vector<192x64xf32>, vector<64x4096xf32>, vector<192x4096xf32> -> vector<192x4096xf32>
    %slice3A_294 = vector.extract_strided_slice %dot_general3A_293 {offsets = [0, 0], sizes = [64, 4096], strides = [1, 1]} : vector<192x4096xf32> to vector<64x4096xf32>
    %slice3A_295 = vector.extract_strided_slice %dot_general3A_293 {offsets = [64, 0], sizes = [64, 4096], strides = [1, 1]} : vector<192x4096xf32> to vector<64x4096xf32>
    %slice3A_296 = vector.extract_strided_slice %dot_general3A_293 {offsets = [128, 0], sizes = [64, 4096], strides = [1, 1]} : vector<192x4096xf32> to vector<64x4096xf32>
    %sub3A_297 = arith.subf %slice3A_295, %slice3A_294 : vector<64x4096xf32>
    %mul3A_298 = vector.broadcast %div3A_21 : vector<1x4096xf32> to vector<64x4096xf32>
    %mul3A_299 = arith.mulf %sub3A_297, %mul3A_298 : vector<64x4096xf32>
    %add3A_300 = arith.addf %slice3A_294, %mul3A_299 : vector<64x4096xf32>
    %gt3A_301 = arith.constant 0.000000e+00 : f32
    %gt3A_302 = vector.broadcast %gt3A_301 : f32 to vector<64x4096xf32>
    %gt3A_303 = arith.cmpf ogt, %slice3A_296, %gt3A_302 : vector<64x4096xf32>
    %select_n3A_304 = arith.select %gt3A_303, %add3A_300, %get3A_286 : vector<64x4096xi1>, vector<64x4096xf32>
    %swap3A_305 = arith.constant 2 : index
    %swap3A_306 = arith.constant 0 : index
    %swap3A_307 = arith.constant 0 : index
    %swap3A_308 = vector.load %arg5[%swap3A_305, %swap3A_306, %swap3A_307] : memref<4x64x4096xf32, #tpu.memory_space<vmem>>, vector<1x64x4096xf32>
    %swap3A_309 = vector.shape_cast %swap3A_308 : vector<1x64x4096xf32> to vector<64x4096xf32>
    %swap3A_310 = vector.shape_cast %select_n3A_304 : vector<64x4096xf32> to vector<1x64x4096xf32>
    tpu.vector_store %arg5[%swap3A_305, %swap3A_306, %swap3A_307], %swap3A_310 {strides = array<i32>} : memref<4x64x4096xf32, #tpu.memory_space<vmem>>, vector<1x64x4096xf32>,
    %get3A_311 = arith.constant 3 : index
    %get3A_312 = arith.constant 0 : index
    %get3A_313 = arith.constant 0 : index
    %get3A_314 = vector.load %arg1[%get3A_311, %get3A_312, %get3A_313] : memref<4x1x1024xi32, #tpu.memory_space<vmem>>, vector<1x1x1024xi32>
    %get3A_315 = vector.shape_cast %get3A_314 : vector<1x1x1024xi32> to vector<1x1024xi32>
    %jit3A_316 = arith.constant 64 : i32
    %div3A_317 = vector.broadcast %jit3A_316 : i32 to vector<1x1024xi32>
    %div3A_318 = arith.divsi %get3A_315, %div3A_317 : vector<1x1024xi32>
    %sign3A_319 = arith.constant 0 : i32
    %sign3A_320 = vector.broadcast %sign3A_319 : i32 to vector<1x1024xi32>
    %sign3A_321 = arith.cmpi sgt, %get3A_315, %sign3A_320 : vector<1x1024xi32>
    %sign3A_322 = arith.extui %sign3A_321 : vector<1x1024xi1> to vector<1x1024xi32>
    %sign3A_323 = arith.constant 0 : i32
    %sign3A_324 = vector.broadcast %sign3A_323 : i32 to vector<1x1024xi32>
    %sign3A_325 = arith.cmpi slt, %get3A_315, %sign3A_324 : vector<1x1024xi32>
    %sign3A_326 = arith.extui %sign3A_325 : vector<1x1024xi1> to vector<1x1024xi32>
    %sign3A_327 = arith.subi %sign3A_322, %sign3A_326 : vector<1x1024xi32>
    %sign3A_328 = arith.constant 0 : i32
    %sign3A_329 = arith.cmpi sgt, %jit3A_316, %sign3A_328 : i32
    %sign3A_330 = arith.extui %sign3A_329 : i1 to i32
    %sign3A_331 = arith.constant 0 : i32
    %sign3A_332 = arith.cmpi slt, %jit3A_316, %sign3A_331 : i32
    %sign3A_333 = arith.extui %sign3A_332 : i1 to i32
    %sign3A_334 = arith.subi %sign3A_330, %sign3A_333 : i32
    %ne3A_335 = vector.broadcast %sign3A_334 : i32 to vector<1x1024xi32>
    %ne3A_336 = arith.cmpi ne, %sign3A_327, %ne3A_335 : vector<1x1024xi32>
    %rem3A_337 = vector.broadcast %jit3A_316 : i32 to vector<1x1024xi32>
    %rem3A_338 = arith.remsi %get3A_315, %rem3A_337 : vector<1x1024xi32>
    %ne3A_339 = arith.constant 0 : i32
    %ne3A_340 = vector.broadcast %ne3A_339 : i32 to vector<1x1024xi32>
    %ne3A_341 = arith.cmpi ne, %rem3A_338, %ne3A_340 : vector<1x1024xi32>
    %and3A_342 = arith.andi %ne3A_336, %ne3A_341 : vector<1x1024xi1>
    %sub3A_343 = arith.constant 1 : i32
    %sub3A_344 = vector.broadcast %sub3A_343 : i32 to vector<1x1024xi32>
    %sub3A_345 = arith.subi %div3A_318, %sub3A_344 : vector<1x1024xi32>
    %select_n3A_346 = arith.select %and3A_342, %sub3A_345, %div3A_318 : vector<1x1024xi1>, vector<1x1024xi32>
    %jit3A_347 = arith.constant 64 : i32
    %eq3A_348 = arith.constant 0 : i32
    %eq3A_349 = arith.cmpi eq, %jit3A_347, %eq3A_348 : i32
    %jit3A_350 = arith.constant 1 : i32
    %select_n3A_351 = arith.select %eq3A_349, %jit3A_350, %jit3A_347 : i32
    %rem3A_352 = vector.broadcast %select_n3A_351 : i32 to vector<1x1024xi32>
    %rem3A_353 = arith.remsi %get3A_315, %rem3A_352 : vector<1x1024xi32>
    %ne3A_354 = arith.constant 0 : i32
    %ne3A_355 = vector.broadcast %ne3A_354 : i32 to vector<1x1024xi32>
    %ne3A_356 = arith.cmpi ne, %rem3A_353, %ne3A_355 : vector<1x1024xi32>
    %lt3A_357 = arith.constant 0 : i32
    %lt3A_358 = vector.broadcast %lt3A_357 : i32 to vector<1x1024xi32>
    %lt3A_359 = arith.cmpi slt, %rem3A_353, %lt3A_358 : vector<1x1024xi32>
    %lt3A_360 = arith.constant 0 : i32
    %lt3A_361 = arith.cmpi slt, %select_n3A_351, %lt3A_360 : i32
    %ne3A_362 = vector.broadcast %lt3A_361 : i1 to vector<1x1024xi1>
    %ne3A_363 = vector.broadcast %ne3A_362 : vector<1x1024xi1> to vector<1x1024xi1>
    %ne3A_364 = arith.xori %lt3A_359, %ne3A_363 : vector<1x1024xi1>
    %and3A_365 = arith.andi %ne3A_364, %ne3A_356 : vector<1x1024xi1>
    %add3A_366 = vector.broadcast %select_n3A_351 : i32 to vector<1x1024xi32>
    %add3A_367 = arith.addi %rem3A_353, %add3A_366 : vector<1x1024xi32>
    %select_n3A_368 = arith.select %and3A_365, %add3A_367, %rem3A_353 : vector<1x1024xi1>, vector<1x1024xi32>
    %eq3A_369 = vector.broadcast %iota3A : vector<64x1xi32> to vector<64x1024xi32>
    %eq3A_370 = vector.broadcast %select_n3A_346 : vector<1x1024xi32> to vector<64x1024xi32>
    %eq3A_371 = arith.cmpi eq, %eq3A_369, %eq3A_370 : vector<64x1024xi32>
    %convert_element_type3A_372 = arith.extui %eq3A_371 : vector<64x1024xi1> to vector<64x1024xi32>
    %convert_element_type3A_373 = arith.sitofp %convert_element_type3A_372 : vector<64x1024xi32> to vector<64x1024xf32>
    %eq3A_374 = vector.broadcast %iota3A : vector<64x1xi32> to vector<64x1024xi32>
    %eq3A_375 = vector.broadcast %select_n3A_368 : vector<1x1024xi32> to vector<64x1024xi32>
    %eq3A_376 = arith.cmpi eq, %eq3A_374, %eq3A_375 : vector<64x1024xi32>
    %convert_element_type3A_377 = arith.extui %eq3A_376 : vector<64x1024xi1> to vector<64x1024xi32>
    %convert_element_type3A_378 = arith.sitofp %convert_element_type3A_377 : vector<64x1024xi32> to vector<64x1024xf32>
    %dot_general3A_379 = arith.constant dense<0.000000e+00> : vector<64x64xf32>
    %dot_general3A_380 = tpu.matmul %convert_element_type3A_373, %convert_element_type3A_378, %dot_general3A_379 {dimension_numbers = #tpu.dot_dimension_numbers<[1], [1], [0], [0], [0, 0, 1, 0], [], []>, transpose_lhs_hint = false} : vector<64x1024xf32>, vector<64x1024xf32>, vector<64x64xf32> -> vector<64x64xf32>
    %get3A_381 = arith.constant 3 : index
    %get3A_382 = arith.constant 0 : index
    %get3A_383 = arith.constant 0 : index
    %get3A_384 = vector.load %arg4[%get3A_381, %get3A_382, %get3A_383] : memref<4x64x4096xf32, #tpu.memory_space<vmem>>, vector<1x64x4096xf32>
    %get3A_385 = vector.shape_cast %get3A_384 : vector<1x64x4096xf32> to vector<64x4096xf32>
    %dot_general3A_386 = arith.constant dense<0.000000e+00> : vector<64x128xf32>
    %dot_general3A_387 = tpu.matmul %get3A_385, %get3A_1, %dot_general3A_386 {dimension_numbers = #tpu.dot_dimension_numbers<[1], [0], [0], [1], [0, 0, 1, 1], [], []>, transpose_lhs_hint = false} : vector<64x4096xf32>, vector<4096x128xf32>, vector<64x128xf32> -> vector<64x128xf32>
    %slice3A_388 = vector.extract_strided_slice %dot_general3A_387 {offsets = [0, 0], sizes = [64, 64], strides = [1, 1]} : vector<64x128xf32> to vector<64x64xf32>
    %slice3A_389 = vector.extract_strided_slice %dot_general3A_387 {offsets = [0, 64], sizes = [64, 64], strides = [1, 1]} : vector<64x128xf32> to vector<64x64xf32>
    %concatenate3A_390 = tpu.concatenate %slice3A_388, %slice3A_389, %dot_general3A_380 in 0 : vector<64x64xf32>, vector<64x64xf32>, vector<64x64xf32> -> vector<192x64xf32>
    %dot_general3A_391 = arith.constant dense<0.000000e+00> : vector<192x4096xf32>
    %dot_general3A_392 = tpu.matmul %concatenate3A_390, %get3A_4, %dot_general3A_391 {dimension_numbers = #tpu.dot_dimension_numbers<[1], [0], [0], [1], [0, 0, 1, 1], [], []>, transpose_lhs_hint = false} : vector<192x64xf32>, vector<64x4096xf32>, vector<192x4096xf32> -> vector<192x4096xf32>
    %slice3A_393 = vector.extract_strided_slice %dot_general3A_392 {offsets = [0, 0], sizes = [64, 4096], strides = [1, 1]} : vector<192x4096xf32> to vector<64x4096xf32>
    %slice3A_394 = vector.extract_strided_slice %dot_general3A_392 {offsets = [64, 0], sizes = [64, 4096], strides = [1, 1]} : vector<192x4096xf32> to vector<64x4096xf32>
    %slice3A_395 = vector.extract_strided_slice %dot_general3A_392 {offsets = [128, 0], sizes = [64, 4096], strides = [1, 1]} : vector<192x4096xf32> to vector<64x4096xf32>
    %sub3A_396 = arith.subf %slice3A_394, %slice3A_393 : vector<64x4096xf32>
    %mul3A_397 = vector.broadcast %div3A_21 : vector<1x4096xf32> to vector<64x4096xf32>
    %mul3A_398 = arith.mulf %sub3A_396, %mul3A_397 : vector<64x4096xf32>
    %add3A_399 = arith.addf %slice3A_393, %mul3A_398 : vector<64x4096xf32>
    %gt3A_400 = arith.constant 0.000000e+00 : f32
    %gt3A_401 = vector.broadcast %gt3A_400 : f32 to vector<64x4096xf32>
    %gt3A_402 = arith.cmpf ogt, %slice3A_395, %gt3A_401 : vector<64x4096xf32>
    %select_n3A_403 = arith.select %gt3A_402, %add3A_399, %get3A_385 : vector<64x4096xi1>, vector<64x4096xf32>
    %swap3A_404 = arith.constant 3 : index
    %swap3A_405 = arith.constant 0 : index
    %swap3A_406 = arith.constant 0 : index
    %swap3A_407 = vector.load %arg5[%swap3A_404, %swap3A_405, %swap3A_406] : memref<4x64x4096xf32, #tpu.memory_space<vmem>>, vector<1x64x4096xf32>
    %swap3A_408 = vector.shape_cast %swap3A_407 : vector<1x64x4096xf32> to vector<64x4096xf32>
    %swap3A_409 = vector.shape_cast %select_n3A_403 : vector<64x4096xf32> to vector<1x64x4096xf32>
    tpu.vector_store %arg5[%swap3A_404, %swap3A_405, %swap3A_406], %swap3A_409 {strides = array<i32>} : memref<4x64x4096xf32, #tpu.memory_space<vmem>>, vector<1x64x4096xf32>,
    return
  }
  func.func @transform_0(%arg0: i32) -> (i32, i32, i32) {
    %c0_i32 = arith.constant 0 : i32
    %c0_i32_0 = arith.constant 0 : i32
    %c0_i32_1 = arith.constant 0 : i32
    return %arg0, %c0_i32, %c0_i32_0 : i32, i32, i32
  }
  func.func @transform_1(%arg0: i32) -> (i32, i32) {
    %c0_i32 = arith.constant 0 : i32
    %c0_i32_0 = arith.constant 0 : i32
    %c0_i32_1 = arith.constant 0 : i32
    return %c0_i32, %c0_i32_0 : i32, i32
  }
  func.func @transform_2(%arg0: i32) -> (i32, i32) {
    %c0_i32 = arith.constant 0 : i32
    %c0_i32_0 = arith.constant 0 : i32
    %c0_i32_1 = arith.constant 0 : i32
    return %c0_i32, %c0_i32_0 : i32, i32
  }
  func.func @transform_3(%arg0: i32) -> (i32, i32, i32) {
    %c0_i32 = arith.constant 0 : i32
    %c0_i32_0 = arith.constant 0 : i32
    %c0_i32_1 = arith.constant 0 : i32
    return %arg0, %c0_i32, %c0_i32_0 : i32, i32, i32
  }
  func.func @transform_4(%arg0: i32) -> (i32, i32, i32) {
    %c0_i32 = arith.constant 0 : i32
    %c0_i32_0 = arith.constant 0 : i32
    %c0_i32_1 = arith.constant 0 : i32
    return %arg0, %c0_i32, %c0_i32_0 : i32, i32, i32
  }
}

</mosaic_0001>

<sc_bundles>
// kernel: sparse-core-data-format-call.cloned.1.call-start
scs
called_computation_lowered:
.L_overlay_start_0:
0x0: {  	s2 =	sld [smem:$0x3FD9]  }
0x1: {  	s3 =	sld [smem:$0x3FFE];
	_ =	sdelay $0x1  }
0x2: {  	s1 =	srdreg.scid  }
0x3: {  	s0 =	sand.u32 $0x1, s1  }
0x4: {  	s18 =	sshll.u32 s0, $0xA;
	s2 =	sadd.s32 s3, s2  }
0x5: {  	s2 =	sadd.s32 s2, s18  }
0x6: {  	[smem:$0x3FC6] =	sst s2  }
0x7: {  	_ = 	snop  }
0x8: {  	s2 =	sld [smem:$0x3FD0];
	(tm) =	ssettm $0x1  }
0x9: {  	s19 =	sld [smem:$0x3FFB];
	_ =	sdelay $0x3  }
0xa: {  	_ =	strace s19  }
0xb: {  	s3 =	sld [smem:$0x3FFC];
	_ =	sdelay $0x3  }
0xc: {  	_ =	strace s3  }
0xd: {  	s3 =	sld [smem:$0x3FFD];
	_ =	sdelay $0x3  }
0xe: {  	_ =	strace s3  }
0xf: {  	_ =	strace $0x8FFFFFFF  }
0x10: {  	s20 =	sld [smem:$0x3FDB];
	_ =	sdelay $0x1  }
0x11: {  	s4 =	simm.s32 $_scs_section_size  }
0x12: {  	s5 =	simm.s32 $_size__tile_overlayer_lowered;
	s6 =	simm.s32 $_tile_overlayer_lowered  }
0x13: {  	s23 =	simm.s32 $0x1BFF;
	s22 =	sshll.u32 s6, $0x1;
	s3 =	sadd.s32 s4, s20  }
0x14: {  	s7 =	simm.s32 $0x0;
	s21 =	sshll.u32 s5, $0x1;
	s5 =	sadd.s32 s22, s3  }
0x15: {  	[timem:s7], [sflag:s23] =	dma.local [hbm:s5], s21  }
0x16: {  	_ =	swait.ge [sflag:s23], s21  }
0x17: {  	s4 =	ssub.s32 $0x0, s21;
	[sflag:s23] =	ssyncset.done $0x0  }
0x18: {  	[sflag:s23] =	ssyncadd.s32 s4;
	_ =	sdelay $0x1  }
0x19: {  	s24 =	simm.s32 $0x1B8B  }
0x1a: {  	_ =	swait.ge [sflag:s24], $0x1  }
0x1b: {  	[sflag:s24] =	ssyncset.done $0x0  }
0x1c: {  	s26 =	simm.s32 $0x1B8E;
	s25 =	sld [smem:$0x3FFE];
	[sflag:s24] =	ssyncadd.s32 $0xFFFFFFFF  }
0x1d: {  	s27 =	simm.s32 $execute0_lowered;
	[smem:$0x3FD2] =	sst s26  }
0x1e: {  	s5 =	sshll.u32 s27, $0x1;
	_ =	strace $0x80000046;
	[dreg:$0x1] =	wrdreg $0xFFFFFFFF  }
0x1f: {  	s28 =	simm.s32 $_size_execute0_lowered;
	s3 =	sadd.s32 s3, s5;
	[dreg:$0x0] =	wrdreg $0x0  }
0x20: {  	s5 =	sshll.u32 s28, $0x1;
	[dreg:$0x2] =	wrdreg s3  }
0x21: {  	[dreg:$0x3] =	wrdreg s5  }
0x22: {  	[dreg:$0x4] =	wrdreg $0xC0  }
0x23: {  	_ =	task [dreg:s7], $0x5FFFF  }
0x24: {  	[dreg:$0x1] =	wrdreg $0xFFFFFFFF  }
0x25: {  	[dreg:$0x0] =	wrdreg $0x60  }
0x26: {  	[dreg:$0x2] =	wrdreg s25  }
0x27: {  	[dreg:$0x3] =	wrdreg s2  }
0x28: {  	[dreg:$0x4] =	wrdreg $0x9  }
0x29: {  	_ =	task.clear_ibuf [dreg:s7], $0x5FFFF;
	_ =	strace $0x90000046  }
0x2a: {  	s29 =	simm.s32 $0x9;
	_ =	strace $0x80000048  }
0x2b: {  	_ =	swait.ge [sflag:s29], $0x1  }
0x2c: {  	[sflag:s29] =	ssyncadd.s32 $0xFFFFFFFF  }
0x2d: {  	_ =	strace $0x90000048  }
0x2e: {  	_ =	sfence  }
0x2f: {  	s30 =	sld [smem:$0x0];
	_ =	sdelay $0x2  }
0x30: {  	s31 =	sshll.u32 s1, $0xD;
	s1 =	sshrl.u32 s1, $0x2  }
0x31: {  	s3 =	sand.u32 $0x4000, s31;
	s1 =	sadd.s32 s1, s30  }
0x32: {  	s0 =	sor.u32 s3, s0;
	s1 =	sshll.u32 s1, $0x11  }
0x33: {  	s0 =	sor.u32 s1, s0  }
0x34: {  	s0 =	sadd.s32 $0x8F2B, s0  }
0x35: {  	[sflag:s0] =	ssyncadd.remote.s32 $0x1  }
0x36: {  	_ =	sfence.sel $0xFFFF  }
0x37: {  	[dreg:$0x0] =	wrdreg $0xFFFFFFFF;
	(pc) =	sbr.abs _section_cstart, $3  }
0x38: {  	[dreg:$0x1] =	wrdreg $0xFFFFFFFF  }
0x39: {  	_ =	task.clear_ibuf [dreg:s7], $0x2FFFF;
	_ =	strace $0x9FFFFFFF  }
0x3a: {  	(tm) =	ssettm $0x7FFFFFFF  }
0x3b: {  	_ =	shalt  }
tec
execute0_lowered:
.L_overlay_start_1:
0x0: {  	(tag) =	ssettag $0x1  }
0x1: {  	s0 =	srdreg.scid  }
0x2: {  	s1 =	sshll.u32 s0, $0x4  }
0x3: {  	s6 =	rddreg [dreg:$0x0];
	s0 =	stileid.u32;
	s1 =	sand.u32 $0x10, s1  }
0x4: {  	s3 =	rddreg [dreg:$0x1];
	s5 =	simm.s32 $0x1;
	s1 =	sor.u32 s0, s1  }
0x5: {  	s31 =	simm.s32 $0x2;
	s13 =	simm.s32 $0x0;
	s2 =	sshll.u32 s1, $0x7  }
0x6: {  	s8 =	simm.s32 $0x40000;
	s12 =	simm.s32 $0x0;
	s4 =	ssub.s32 $0x1000, s2  }
0x7: {  	s9 =	simm.s32 $0x0;
	s11 =	simm.s32 $0x0;
	s30 =	sand.u32 $0xF80, s4  }
.Ltmp0:
0x8: {  	s6 =	sadd.s32 $0xE00, s6;
	p0 =	sne.s32 s30, $0x0;
	(pc) =	sbr.rel .LBB1_1-.Ltmp0, $4  }
0x9: {  	s1 =	rddreg [dreg:$0x2];
	s7 =	sshrl.u32 s4, $0xC;
	s5 =	simm.s32 @!p0 $0x0  }
0xa: {  	_ =	strace $0x80000047;
	s4 =	simm.s32 $0x1;
	s5 =	sadd.s32 s5, s7  }
0xb: {  	s10 =	smov.u32 s2;
	[sflag:s4] =	ssyncpa.u1 $0x0;
	s5 =	sshll.u32 s5, $0x6  }
0xc: {  	[sflag:s31] =	ssyncpa.u1 $0x0;
	p0 =	por $0x0, $0x0;
	s7 =	sor.u32 $0x1, s5  }
.LBB1_4:
0xd: {  	v5 =	vld [tilespmem:s16+$0xFFFFFFD0];
	[tilespmem:s17+$0x2040 ss:$0x81] =	vst.msk $0xffff, v1  }
0xe: {  	v58 =	vld [tilespmem:s16+$0xFFFFFFE0];
	[tilespmem:s17+$0x2850 ss:$0x81] =	vst.msk $0xffff, v2  }
0xf: {  	s18 =	sshra.s32 s18, $0x2;
	v59 =	vld [tilespmem:s16+$0xFFFFFFF0];
	[tilespmem:s17+$0x3060 ss:$0x81] =	vst.msk $0xffff, v3  }
0x10: {  	v60 =	vld [tilespmem:s16+$0x0];
	[tilespmem:s17+$0x0 ss:$0x81] =	vst.msk $0xffff, v0;
	s15 =	sadd.s32 s18, s15  }
0x11: {  	v61 =	vld [tilespmem:s16+$0x10];
	s26 =	sshll.u32 s13, $0xC;
	[tilespmem:s15+$0x3870 ss:$0x81] =	vst.msk $0xffff, v4  }
0x12: {  	v62 =	vld [tilespmem:s16+$0x20];
	s27 =	sand.u32 $0x78, s12;
	s19 =	sshll.u32 s12, $0x3;
	s29 =	sshll.u32 s13, $0x7;
	[tilespmem:s15+$0x810 ss:$0x81] =	vst.msk $0xffff, v5  }
0x13: {  	v63 =	vld [tilespmem:s16+$0xFFFFFFC0];
	s17 =	sand.u32 $0x38000, s26;
	s28 =	sand.u32 $0x3FC00, s19;
	s19 =	sand.u32 $0xC00, s19;
	[tilespmem:s15+$0x1020 ss:$0x81] =	vst.msk $0xffff, v58  }
0x14: {  	s13 =	sand.u32 $0x380, s29;
	s16 =	sadd.s32 s28, s17;
	s30 =	sor.u32 s27, s19;
	[tilespmem:s15+$0x1830 ss:$0x81] =	vst.msk $0xffff, v59  }
0x15: {  	s16 =	sand.u32 $0x3F000, s16;
	s13 =	sor.u32 s13, s30;
	[tilespmem:s15+$0x2040 ss:$0x81] =	vst.msk $0xffff, v60  }
0x16: {  	s31 =	sand.u32 $0x7, s12;
	s13 =	sor.u32 s16, s13;
	[tilespmem:s15+$0x2850 ss:$0x81] =	vst.msk $0xffff, v61  }
0x17: {  	s12 =	sshll.u32 s31, $0x12;
	[tilespmem:s15+$0x3060 ss:$0x81] =	vst.msk $0xffff, v62;
	s13 =	sshrl.u32 s13, $0x3  }
0x18: {  	s12 =	sor.u32 $0x80, s12;
	[tilespmem:s15+$0x0 ss:$0x81] =	vst.msk $0xffff, v63;
	s13 =	sadd.s32 s3, s13  }
0x19: {  	[hbm4b:s13+s12] =	stream.strided.scatter [tilespmem:s14], [sflag:$0x2], $0x4000, s8, s12, $0x20;
	[tilespmem:$0x10100] =	vst v63  }
.LBB1_5:
0x1a: {  	s14 =	sadd.s32 $0x1, s9  }
0x1b: {  	s12 =	sadd.s32 $0x1000, s10;
	s16 =	smov.u32 s10;
	p2 =	sgt.s32 s14, $0x3F  }
0x1c: {  	s16 =	smov.u32 @p2 s12  }
0x1d: {  	s14 =	simm.s32 @p2 $0x0;
	p2 =	sgt.s32 s16, $0xFFF  }
0x1e: {  	s16 =	smov.u32 @p2 s2;
	p2 =	sne.s32 s11, s7  }
.Ltmp1:
0x1f: {  	p1 =	slt.u32 s11, $0x2;
	(pc) =	sbr.rel @!p2 .LBB1_6-.Ltmp1, $4  }
0x20: {  	s15 =	simm.s32 @!p1 $0x2  }
0x21: {  	s13 =	smov.u32 s9;
	p0 =	por !p0, !p0;
	_ =	swait.ge @!p1 [sflag:s15], $0x4000  }
0x22: {  	s12 =	smov.u32 s10;
	[sflag:s15] =	ssyncset.done @!p1 $0x0;
	s9 =	smov.u32 s14  }
0x23: {  	s11 =	sadd.s32 $0x1, s11;
	[sflag:s15] =	ssyncadd.s32 @!p1 $0xFFFFC000;
	s10 =	smov.u32 s16  }
.LBB1_1:
0x24: {  	p1 =	sge.u32 s11, s5  }
0x25: {  	s31 =	sadd.s32 $0xFFFFFFFF, s11;
	s14 =	sxor.u32 @!p1 $0xFFFFFFFF, s11  }
0x26: {  	s15 =	sshll.u32 @!p1 s10, $0xA;
	s16 =	sshll.u32 @!p1 s9, $0x4;
	s17 =	simm.s32 @!p1 $0x2000  }
0x27: {  	s14 =	sshll.u32 @!p1 s14, $0xE;
	s16 =	sand.u32 @!p1 $0x3F0, s16;
	s15 =	sadd.s32 @!p1 s6, s15  }
0x28: {  	s14 =	sand.u32 @!p1 $0x4000, s14;
	s15 =	sadd.s32 @!p1 s16, s15;
	s16 =	simm.s32 @!p1 $0x80  }
0x29: {  	[tilespmem:s14], [sflag:$0x1] =	stream.strided.gather @!p1 [hbm4b:s15+s16], $0x4000, s17, s16, $0x38;
	[tilespmem:$0x10100] =	vst v63  }
0x2a: {  	p1 =	sge.u32 s31, s5  }
.Ltmp2:
0x2b: {  	_ = 	snop;
	(pc) =	sbr.rel @p1 .LBB1_5-.Ltmp2, $1  }
0x2c: {  	_ =	sdelay $0x3  }
0x2d: {  	s14 =	simm.s32 $0x1  }
0x2e: {  	_ =	swait.ge [sflag:s4], $0x4000;
	s14 =	simm.s32 @!p0 $0x0  }
0x2f: {  	[sflag:s4] =	ssyncset.done $0x0;
	s15 =	sshll.u32 s14, $0xE  }
0x30: {  	[sflag:s4] =	ssyncadd.s32 $0xFFFFC000;
	s16 =	sor.u32 $0x40, s15  }
0x31: {  	s14 =	smul.u32 $0x10200, s14;
	v0 =	vld [tilespmem:s16+$0x30]  }
0x32: {  	v3 =	vld [tilespmem:s16+$0xFFFFFFD0]  }
0x33: {  	s14 =	sshrl.u32 s14, $0x2;
	v4 =	vld [tilespmem:s16+$0xFFFFFFE0]  }
0x34: {  	v5 =	vld [tilespmem:s16+$0xFFFFFFF0];
	s15 =	sor.u32 $0x8000, s14  }
0x35: {  	s31 =	sand.u32 $0x1, s11;
	v1 =	vld [tilespmem:s16+$0x0];
	s17 =	sadd.s32 $0x0, s15  }
0x36: {  	v2 =	vld [tilespmem:s16+$0x10];
	s14 =	smul.u32 $0x10200, s31;
	[tilespmem:s17+$0x3870 ss:$0x81] =	vst.msk $0xffff, v0  }
0x37: {  	[tilespmem:s17+$0x810 ss:$0x81] =	vst.msk $0xffff, v3;
	v3 =	vld [tilespmem:s16+$0x20]  }
0x38: {  	s14 =	sshrl.u32 s14, $0x2;
	v0 =	vld [tilespmem:s16+$0xFFFFFFC0];
	[tilespmem:s17+$0x1020 ss:$0x81] =	vst.msk $0xffff, v4;
	s16 =	sadd.s32 $0x80, s16  }
0x39: {  	s18 =	simm.s32 $0x4;
	s19 =	simm.s32 $0x8;
	s14 =	sor.u32 $0x8000, s14;
	[tilespmem:s17+$0x1830 ss:$0x81] =	vst.msk $0xffff, v5;
	v4 =	vld [tilespmem:s16+$0x30]  }
.LBB1_3:
0x3a: {  	p1 =	sne.s32 s19, $0x1FC;
	v5 =	vld [tilespmem:s16+$0xFFFFFFD0];
	[tilespmem:s17+$0x2040 ss:$0x81] =	vst.msk $0xffff, v1  }
0x3b: {  	v6 =	vld [tilespmem:s16+$0xFFFFFFE0];
	[tilespmem:s17+$0x2850 ss:$0x81] =	vst.msk $0xffff, v2  }
0x3c: {  	s20 =	sshra.s32 s18, $0x2;
	s18 =	smov.u32 s19;
	v7 =	vld [tilespmem:s16+$0xFFFFFFF0];
	[tilespmem:s17+$0x3060 ss:$0x81] =	vst.msk $0xffff, v3  }
.Ltmp3:
0x3d: {  	v1 =	vld [tilespmem:s16+$0x0];
	[tilespmem:s17+$0x0 ss:$0x81] =	vst.msk $0xffff, v0;
	s17 =	sadd.s32 s20, s15;
	(pc) =	sbr.rel @p1 .LBB1_3-.Ltmp3, $4  }
0x3e: {  	v2 =	vld [tilespmem:s16+$0x10];
	[tilespmem:s17+$0x3870 ss:$0x81] =	vst.msk $0xffff, v4  }
0x3f: {  	[tilespmem:s17+$0x810 ss:$0x81] =	vst.msk $0xffff, v5;
	v3 =	vld [tilespmem:s16+$0x20]  }
0x40: {  	v0 =	vld [tilespmem:s16+$0xFFFFFFC0];
	[tilespmem:s17+$0x1020 ss:$0x81] =	vst.msk $0xffff, v6;
	s16 =	sadd.s32 $0x80, s16  }
0x41: {  	s19 =	sadd.s32 $0x4, s19;
	v4 =	vld [tilespmem:s16+$0x30];
	[tilespmem:s17+$0x1830 ss:$0x81] =	vst.msk $0xffff, v7  }
.Ltmp4:
0x42: {  	_ = 	snop;
	(pc) =	sbr.rel .LBB1_4-.Ltmp4, $1  }
0x43: {  	_ =	sdelay $0x3  }
.LBB1_6:
0x44: {  	_ =	sfence.sel $0x180000  }
0x45: {  	s2 =	simm.s32 $0x1;
	[bflag:$0x0] =	sbarrier.arrive $0xFFFF  }
0x46: {  	s31 =	simm.s32 $0x2;
	[sflag:s2] =	ssyncpa.u1 $0x1  }
0x47: {  	[sflag:s31] =	ssyncpa.u1 $0x1  }
0x48: {  	p0 =	sne.s32 s0, $0x0;
	_ =	strace $0x90000047  }
0x49: {  	s0 =	sadd.s32 @!p0 $0x100000, s1;
	[bflag:$0x2] =	sbarrier.arrive $0xFFFF  }
0x4a: {  	[sflag:s0] =	ssyncadd.tile.s32 @!p0 $0x1;
	_ =	shalt  }
.Lfunc_end1:
_tile_overlayer_lowered:
.L_overlay_start_2:
0x4b: {  	(tag) =	ssettag $0x2  }
0x4c: {  	s0 =	rddreg [dreg:$0x0];
	s2 =	stileid.u32  }
0x4d: {  	s1 =	rddreg [dreg:$0x1];
	p0 =	sne.s32 s2, $0x0  }
0x4e: {  	s3 =	rddreg [dreg:$0x2];
	[bflag:$0x3] =	sbarrier.arrive $0xFFFF;
	s2 =	simm.s32 @!p0 $0x1C01  }
0x4f: {  	[timem:s3], [sflag:s2] =	dma.local @!p0 [hbm:s0], s1  }
0x50: {  	s0 =	simm.s32 @!p0 $0x1  }
0x51: {  	_ =	swait.ge @!p0 [sflag:s0], s1  }
0x52: {  	s1 =	ssub.s32 @!p0 $0x0, s1;
	[sflag:s0] =	ssyncset.done @!p0 $0x0  }
0x53: {  	[sflag:s0] =	ssyncadd.s32 @!p0 s1  }
0x54: {  	[bflag:$0x3] =	sbarrier.arrive $0xFFFF  }
0x55: {  	_ =	shalt  }

</sc_bundles>
